<compile_context>
chip_gen: v7x
topology: tpu7x:2x2x1
jax: 0.10.2.dev20260603
libtpu: 0.0.44.dev20260713+nightly
codegen_flags: <defaults>
</compile_context>

<pallas_src>
import dataclasses
import functools

import jax
import jax.numpy as jnp
from jax import lax
from jax.experimental import pallas as pl
from jax.experimental.pallas import tpu as pltpu
from jax.experimental.pallas import tpu_sc as plsc


@functools.lru_cache(maxsize=None)
def _build_sc_kernel(bs, h, w, F):
    info = plsc.get_sparse_core_info()
    NC, NS, L = info.num_cores, info.num_subcores, info.num_lanes
    F2 = 2 * F
    assert h == NC * NS and F % L == 0 and bs % (2 * NS) == 0

    mesh = plsc.VectorSubcoreMesh(core_axis_name="c", subcore_axis_name="s")

    cp = pltpu.CompilerParams()
    if "needs_layout_passes" in pltpu.CompilerParams.__dataclass_fields__:
        cp = dataclasses.replace(cp, needs_layout_passes=False)

    @functools.partial(
        pl.kernel,
        mesh=mesh,
        compiler_params=cp,
        out_type=jax.ShapeDtypeStruct((bs, h, w, F2), jnp.float32),
        scratch_types=[
            pltpu.VMEM((2, max(h, w), F), jnp.float32),
            pltpu.VMEM((w, F2), jnp.float32),
            pltpu.VMEM_SHARED((NS, w, F2), jnp.float32),
            pltpu.SemaphoreType.DMA,
        ],
    )
    def sc_kernel(row_hbm, col_hbm, out_hbm, tbl_v, buf_v, half_sh, sem):
        c = lax.axis_index("c")
        s = lax.axis_index("s")
        y = c * NS + s

        pltpu.sync_copy(col_hbm.at[pl.ds(0, w)], tbl_v.at[0, pl.ds(0, w)])
        pltpu.sync_copy(row_hbm.at[pl.ds(0, h)], tbl_v.at[1, pl.ds(0, h)])

        row_vecs = [tbl_v[1, y, pl.ds(k * L, L)] for k in range(F // L)]

        @pl.loop(0, w)
        def _(x):
            for k in range(F // L):
                buf_v[x, pl.ds(k * L, L)] = tbl_v[0, x, pl.ds(k * L, L)]
                buf_v[x, pl.ds(F + k * L, L)] = row_vecs[k]

        pltpu.sync_copy(buf_v, half_sh.at[s])
        plsc.subcore_barrier()

        bpt = bs // NS
        for i in range(bpt):
            b = s * bpt + i
            pltpu.async_copy(half_sh, out_hbm.at[b, pl.ds(c * NS, NS)], sem)
        for i in range(bpt):
            b = s * bpt + i
            pltpu.make_async_copy(
                half_sh, out_hbm.at[b, pl.ds(c * NS, NS)], sem
            ).wait()

    return sc_kernel


def kernel(mask, row_embed, col_embed):
    bs, h, w = mask.shape
    F = row_embed.shape[1]
    sc_kernel = _build_sc_kernel(bs, h, w, F)
    out_bhwf = sc_kernel(row_embed, col_embed)
    return jnp.transpose(out_bhwf, (0, 3, 1, 2))

# --- scband reference (transcript-rebuilt; emitter-appended) ---
"""Pipeline reference for scband-learned-positional-encoding-59055800320490 (READ-ONLY COPY).

The authoritative reference and input builder live on the scoring server;
editing this copy changes nothing except your own understanding.
"""

import jax, jax.numpy as jnp
import numpy as np


def setup_inputs(seed: int = 0) -> dict:
    key = jax.random.key(seed)
    k1, k2 = jax.random.split(key)
    # mask: ByteTensor-like [bs, h, w]; zero = valid position
    mask = jnp.zeros((32, 32, 32), dtype=bool)
    # learned embedding tables, uniform_init(lower=0, upper=1) as in init_weights
    row_embed = jax.random.uniform(k1, (50, 128), minval=0.0, maxval=1.0, dtype=jnp.float32)
    col_embed = jax.random.uniform(k2, (50, 128), minval=0.0, maxval=1.0, dtype=jnp.float32)
    return {"mask": mask, "row_embed": row_embed, "col_embed": col_embed}


def reference(mask, row_embed, col_embed):
    bs, h, w = mask.shape
    x = jnp.arange(w)
    y = jnp.arange(h)
    # embedding lookup -> gather rows
    x_embed = jnp.take(col_embed, x, axis=0)  # [w, F]
    y_embed = jnp.take(row_embed, y, axis=0)  # [h, F]
    xs = jnp.tile(x_embed[None, :, :], (h, 1, 1))  # [h, w, F]
    ys = jnp.tile(y_embed[:, None, :], (1, w, 1))  # [h, w, F]
    pos = jnp.concatenate([xs, ys], axis=-1)       # [h, w, 2F]
    pos = jnp.transpose(pos, (2, 0, 1))[None]      # [1, 2F, h, w]
    pos = jnp.tile(pos, (bs, 1, 1, 1))             # [bs, 2F, h, w]
    return pos

if __name__ == "__main__":
    import jax
    _d = setup_inputs()
    print(jax.jit(kernel)(*tuple(_d.values())))

</pallas_src>

<mosaic_0001>
#map = affine_map<(d0, d1) -> (0, 0)>
#map1 = affine_map<(d0, d1) -> (0, 0, 0, 0)>
module attributes {stable_mosaic.version = 14 : i64} {
  func.func @sc_kernel(%arg0: i32, %arg1: i32, %arg2: memref<50x128xf32, #tpu.memory_space<hbm>>, %arg3: memref<50x128xf32, #tpu.memory_space<hbm>>, %arg4: memref<32x32x32x256xf32, #tpu.memory_space<hbm>>, %arg5: memref<2x32x128xf32, #tpu.memory_space<vmem>>, %arg6: memref<32x256xf32, #tpu.memory_space<vmem>>, %arg7: memref<16x32x256xf32, #tpu.memory_space<vmem_shared>>, %arg8: memref<!tpu.dma_semaphore, #tpu.memory_space<semaphore_mem>>) attributes {dimension_semantics = [#tpu.dimension_semantics<core_parallel>, #tpu.dimension_semantics<subcore_parallel>], iteration_bounds = array<i64: 2, 16>, scalar_prefetch = 0 : i64, scratch_operands = 4 : i64, tpu.core_type = #tpu.core_type<sc_vector_subcore>, window_params = [{transform_indices = #map}, {transform_indices = #map}, {transform_indices = #map1}]} {
    %mul3A = arith.constant 16 : i32
    %mul3A_0 = arith.muli %arg0, %mul3A : i32
    %add3A = arith.addi %mul3A_0, %arg1 : i32
    %run_scoped3A = arith.constant 0 : i32
    "tpu.region"() ({
      %run_scoped3A_83 = tpu.sem_alloc : memref<!tpu.dma_semaphore, #tpu.memory_space<semaphore_mem>>
      %dma_start3A_84 = arith.constant 0 : i32
      %dma_start3A_85 = arith.constant 0 : i32
      %dma_start3A_86 = tpu.memref_slice %arg5[%run_scoped3A, %dma_start3A_84, %dma_start3A_85] : memref<2x32x128xf32, #tpu.memory_space<vmem>> -> memref<1x32x128xf32, #tpu.memory_space<vmem>>
      %dma_start3A_87 = tpu.memref_squeeze %dma_start3A_86 : memref<1x32x128xf32, #tpu.memory_space<vmem>> -> memref<32x128xf32, #tpu.memory_space<vmem>>
      %dma_start3A_88 = arith.constant 0 : i32
      %dma_start3A_89 = arith.constant 0 : i32
      %dma_start3A_90 = tpu.memref_slice %arg3[%dma_start3A_88, %dma_start3A_89] : memref<50x128xf32, #tpu.memory_space<hbm>> -> memref<32x128xf32, #tpu.memory_space<hbm>>
      %dma_start3A_91 = arith.constant 0 : i32
      %dma_start3A_92 = arith.constant 0 : i32
      %dma_start3A_93 = tpu.memref_slice %arg5[%run_scoped3A, %dma_start3A_91, %dma_start3A_92] : memref<2x32x128xf32, #tpu.memory_space<vmem>> -> memref<1x32x128xf32, #tpu.memory_space<vmem>>
      %dma_start3A_94 = tpu.memref_squeeze %dma_start3A_93 : memref<1x32x128xf32, #tpu.memory_space<vmem>> -> memref<32x128xf32, #tpu.memory_space<vmem>>
      %dma_start3A_95 = arith.constant 0 : i32
      %dma_start3A_96 = arith.constant 0 : i32
      %dma_start3A_97 = tpu.memref_slice %arg3[%dma_start3A_95, %dma_start3A_96] : memref<50x128xf32, #tpu.memory_space<hbm>> -> memref<32x128xf32, #tpu.memory_space<hbm>>
      tpu.enqueue_dma source(%dma_start3A_97 : memref<32x128xf32, #tpu.memory_space<hbm>>) target(%dma_start3A_94 : memref<32x128xf32, #tpu.memory_space<vmem>>) target_semaphore(%run_scoped3A_83 : memref<!tpu.dma_semaphore, #tpu.memory_space<semaphore_mem>>)
      %dma_wait3A_98 = arith.constant 0 : i32
      %dma_wait3A_99 = arith.constant 0 : i32
      %dma_wait3A_100 = tpu.memref_slice %arg5[%run_scoped3A, %dma_wait3A_98, %dma_wait3A_99] : memref<2x32x128xf32, #tpu.memory_space<vmem>> -> memref<1x32x128xf32, #tpu.memory_space<vmem>>
      %dma_wait3A_101 = tpu.memref_squeeze %dma_wait3A_100 : memref<1x32x128xf32, #tpu.memory_space<vmem>> -> memref<32x128xf32, #tpu.memory_space<vmem>>
      %dma_wait3A_102 = arith.constant 0 : i32
      %dma_wait3A_103 = arith.constant 0 : i32
      %dma_wait3A_104 = tpu.memref_slice %arg3[%dma_wait3A_102, %dma_wait3A_103] : memref<50x128xf32, #tpu.memory_space<hbm>> -> memref<32x128xf32, #tpu.memory_space<hbm>>
      %dma_wait3A_105 = arith.constant 0 : i32
      %dma_wait3A_106 = arith.constant 0 : i32
      %dma_wait3A_107 = tpu.memref_slice %arg5[%run_scoped3A, %dma_wait3A_105, %dma_wait3A_106] : memref<2x32x128xf32, #tpu.memory_space<vmem>> -> memref<1x32x128xf32, #tpu.memory_space<vmem>>
      %dma_wait3A_108 = tpu.memref_squeeze %dma_wait3A_107 : memref<1x32x128xf32, #tpu.memory_space<vmem>> -> memref<32x128xf32, #tpu.memory_space<vmem>>
      %dma_wait3A_109 = arith.constant 0 : i32
      %dma_wait3A_110 = arith.constant 0 : i32
      %dma_wait3A_111 = tpu.memref_slice %arg3[%dma_wait3A_109, %dma_wait3A_110] : memref<50x128xf32, #tpu.memory_space<hbm>> -> memref<32x128xf32, #tpu.memory_space<hbm>>
      tpu.wait_dma2 semaphore(%run_scoped3A_83 : memref<!tpu.dma_semaphore, #tpu.memory_space<semaphore_mem>>) src(%dma_wait3A_111 : memref<32x128xf32, #tpu.memory_space<hbm>>) dst(%dma_wait3A_108 : memref<32x128xf32, #tpu.memory_space<vmem>>)
      tpu.yield
    }) : () -> ()
    %run_scoped3A_1 = arith.constant 1 : i32
    "tpu.region"() ({
      %run_scoped3A_83 = tpu.sem_alloc : memref<!tpu.dma_semaphore, #tpu.memory_space<semaphore_mem>>
      %dma_start3A_84 = arith.constant 0 : i32
      %dma_start3A_85 = arith.constant 0 : i32
      %dma_start3A_86 = tpu.memref_slice %arg5[%run_scoped3A_1, %dma_start3A_84, %dma_start3A_85] : memref<2x32x128xf32, #tpu.memory_space<vmem>> -> memref<1x32x128xf32, #tpu.memory_space<vmem>>
      %dma_start3A_87 = tpu.memref_squeeze %dma_start3A_86 : memref<1x32x128xf32, #tpu.memory_space<vmem>> -> memref<32x128xf32, #tpu.memory_space<vmem>>
      %dma_start3A_88 = arith.constant 0 : i32
      %dma_start3A_89 = arith.constant 0 : i32
      %dma_start3A_90 = tpu.memref_slice %arg2[%dma_start3A_88, %dma_start3A_89] : memref<50x128xf32, #tpu.memory_space<hbm>> -> memref<32x128xf32, #tpu.memory_space<hbm>>
      %dma_start3A_91 = arith.constant 0 : i32
      %dma_start3A_92 = arith.constant 0 : i32
      %dma_start3A_93 = tpu.memref_slice %arg5[%run_scoped3A_1, %dma_start3A_91, %dma_start3A_92] : memref<2x32x128xf32, #tpu.memory_space<vmem>> -> memref<1x32x128xf32, #tpu.memory_space<vmem>>
      %dma_start3A_94 = tpu.memref_squeeze %dma_start3A_93 : memref<1x32x128xf32, #tpu.memory_space<vmem>> -> memref<32x128xf32, #tpu.memory_space<vmem>>
      %dma_start3A_95 = arith.constant 0 : i32
      %dma_start3A_96 = arith.constant 0 : i32
      %dma_start3A_97 = tpu.memref_slice %arg2[%dma_start3A_95, %dma_start3A_96] : memref<50x128xf32, #tpu.memory_space<hbm>> -> memref<32x128xf32, #tpu.memory_space<hbm>>
      tpu.enqueue_dma source(%dma_start3A_97 : memref<32x128xf32, #tpu.memory_space<hbm>>) target(%dma_start3A_94 : memref<32x128xf32, #tpu.memory_space<vmem>>) target_semaphore(%run_scoped3A_83 : memref<!tpu.dma_semaphore, #tpu.memory_space<semaphore_mem>>)
      %dma_wait3A_98 = arith.constant 0 : i32
      %dma_wait3A_99 = arith.constant 0 : i32
      %dma_wait3A_100 = tpu.memref_slice %arg5[%run_scoped3A_1, %dma_wait3A_98, %dma_wait3A_99] : memref<2x32x128xf32, #tpu.memory_space<vmem>> -> memref<1x32x128xf32, #tpu.memory_space<vmem>>
      %dma_wait3A_101 = tpu.memref_squeeze %dma_wait3A_100 : memref<1x32x128xf32, #tpu.memory_space<vmem>> -> memref<32x128xf32, #tpu.memory_space<vmem>>
      %dma_wait3A_102 = arith.constant 0 : i32
      %dma_wait3A_103 = arith.constant 0 : i32
      %dma_wait3A_104 = tpu.memref_slice %arg2[%dma_wait3A_102, %dma_wait3A_103] : memref<50x128xf32, #tpu.memory_space<hbm>> -> memref<32x128xf32, #tpu.memory_space<hbm>>
      %dma_wait3A_105 = arith.constant 0 : i32
      %dma_wait3A_106 = arith.constant 0 : i32
      %dma_wait3A_107 = tpu.memref_slice %arg5[%run_scoped3A_1, %dma_wait3A_105, %dma_wait3A_106] : memref<2x32x128xf32, #tpu.memory_space<vmem>> -> memref<1x32x128xf32, #tpu.memory_space<vmem>>
      %dma_wait3A_108 = tpu.memref_squeeze %dma_wait3A_107 : memref<1x32x128xf32, #tpu.memory_space<vmem>> -> memref<32x128xf32, #tpu.memory_space<vmem>>
      %dma_wait3A_109 = arith.constant 0 : i32
      %dma_wait3A_110 = arith.constant 0 : i32
      %dma_wait3A_111 = tpu.memref_slice %arg2[%dma_wait3A_109, %dma_wait3A_110] : memref<50x128xf32, #tpu.memory_space<hbm>> -> memref<32x128xf32, #tpu.memory_space<hbm>>
      tpu.wait_dma2 semaphore(%run_scoped3A_83 : memref<!tpu.dma_semaphore, #tpu.memory_space<semaphore_mem>>) src(%dma_wait3A_111 : memref<32x128xf32, #tpu.memory_space<hbm>>) dst(%dma_wait3A_108 : memref<32x128xf32, #tpu.memory_space<vmem>>)
      tpu.yield
    }) : () -> ()
    %get3A = arith.constant 1 : i32
    %get3A_2 = arith.index_cast %get3A : i32 to index
    %get3A_3 = arith.index_cast %add3A : i32 to index
    %get3A_4 = arith.constant 0 : index
    %get3A_5 = tpu.vector_load %arg5[%get3A_2, %get3A_3, %get3A_4] {strides = array<i32>} : memref<2x32x128xf32, #tpu.memory_space<vmem>>, vector<16xf32>,
    %get3A_6 = arith.constant 1 : i32
    %get3A_7 = arith.index_cast %get3A_6 : i32 to index
    %get3A_8 = arith.index_cast %add3A : i32 to index
    %get3A_9 = arith.constant 16 : index
    %get3A_10 = tpu.vector_load %arg5[%get3A_7, %get3A_8, %get3A_9] {strides = array<i32>} : memref<2x32x128xf32, #tpu.memory_space<vmem>>, vector<16xf32>,
    %get3A_11 = arith.constant 1 : i32
    %get3A_12 = arith.index_cast %get3A_11 : i32 to index
    %get3A_13 = arith.index_cast %add3A : i32 to index
    %get3A_14 = arith.constant 32 : index
    %get3A_15 = tpu.vector_load %arg5[%get3A_12, %get3A_13, %get3A_14] {strides = array<i32>} : memref<2x32x128xf32, #tpu.memory_space<vmem>>, vector<16xf32>,
    %get3A_16 = arith.constant 1 : i32
    %get3A_17 = arith.index_cast %get3A_16 : i32 to index
    %get3A_18 = arith.index_cast %add3A : i32 to index
    %get3A_19 = arith.constant 48 : index
    %get3A_20 = tpu.vector_load %arg5[%get3A_17, %get3A_18, %get3A_19] {strides = array<i32>} : memref<2x32x128xf32, #tpu.memory_space<vmem>>, vector<16xf32>,
    %get3A_21 = arith.constant 1 : i32
    %get3A_22 = arith.index_cast %get3A_21 : i32 to index
    %get3A_23 = arith.index_cast %add3A : i32 to index
    %get3A_24 = arith.constant 64 : index
    %get3A_25 = tpu.vector_load %arg5[%get3A_22, %get3A_23, %get3A_24] {strides = array<i32>} : memref<2x32x128xf32, #tpu.memory_space<vmem>>, vector<16xf32>,
    %get3A_26 = arith.constant 1 : i32
    %get3A_27 = arith.index_cast %get3A_26 : i32 to index
    %get3A_28 = arith.index_cast %add3A : i32 to index
    %get3A_29 = arith.constant 80 : index
    %get3A_30 = tpu.vector_load %arg5[%get3A_27, %get3A_28, %get3A_29] {strides = array<i32>} : memref<2x32x128xf32, #tpu.memory_space<vmem>>, vector<16xf32>,
    %get3A_31 = arith.constant 1 : i32
    %get3A_32 = arith.index_cast %get3A_31 : i32 to index
    %get3A_33 = arith.index_cast %add3A : i32 to index
    %get3A_34 = arith.constant 96 : index
    %get3A_35 = tpu.vector_load %arg5[%get3A_32, %get3A_33, %get3A_34] {strides = array<i32>} : memref<2x32x128xf32, #tpu.memory_space<vmem>>, vector<16xf32>,
    %get3A_36 = arith.constant 1 : i32
    %get3A_37 = arith.index_cast %get3A_36 : i32 to index
    %get3A_38 = arith.index_cast %add3A : i32 to index
    %get3A_39 = arith.constant 112 : index
    %get3A_40 = tpu.vector_load %arg5[%get3A_37, %get3A_38, %get3A_39] {strides = array<i32>} : memref<2x32x128xf32, #tpu.memory_space<vmem>>, vector<16xf32>,
    %scan3A = arith.constant 0 : i32
    %scan3A_41 = arith.constant 32 : i32
    %scan3A_42 = arith.addi %scan3A, %scan3A_41 : i32
    %scan3A_43 = arith.constant 1 : i32
    scf.for %scan3A_83 = %scan3A to %scan3A_42 step %scan3A_43  : i32 {
      %mul3A_84 = arith.constant 1 : i32
      %mul3A_85 = arith.muli %scan3A_83, %mul3A_84 : i32
      %add3A_86 = arith.constant 0 : i32
      %add3A_87 = arith.addi %add3A_86, %mul3A_85 : i32
      %get3A_88 = arith.constant 0 : i32
      %get3A_89 = arith.index_cast %get3A_88 : i32 to index
      %get3A_90 = arith.index_cast %add3A_87 : i32 to index
      %get3A_91 = arith.constant 0 : index
      %get3A_92 = tpu.vector_load %arg5[%get3A_89, %get3A_90, %get3A_91] {strides = array<i32>} : memref<2x32x128xf32, #tpu.memory_space<vmem>>, vector<16xf32>,
      %swap3A = arith.index_cast %add3A_87 : i32 to index
      %swap3A_93 = arith.constant 0 : index
      %swap3A_94 = tpu.vector_load %arg6[%swap3A, %swap3A_93] {strides = array<i32>} : memref<32x256xf32, #tpu.memory_space<vmem>>, vector<16xf32>,
      tpu.vector_store %arg6[%swap3A, %swap3A_93], %get3A_92 {strides = array<i32>} : memref<32x256xf32, #tpu.memory_space<vmem>>, vector<16xf32>,
      %swap3A_95 = arith.index_cast %add3A_87 : i32 to index
      %swap3A_96 = arith.constant 128 : index
      %swap3A_97 = tpu.vector_load %arg6[%swap3A_95, %swap3A_96] {strides = array<i32>} : memref<32x256xf32, #tpu.memory_space<vmem>>, vector<16xf32>,
      tpu.vector_store %arg6[%swap3A_95, %swap3A_96], %get3A_5 {strides = array<i32>} : memref<32x256xf32, #tpu.memory_space<vmem>>, vector<16xf32>,
      %get3A_98 = arith.constant 0 : i32
      %get3A_99 = arith.index_cast %get3A_98 : i32 to index
      %get3A_100 = arith.index_cast %add3A_87 : i32 to index
      %get3A_101 = arith.constant 16 : index
      %get3A_102 = tpu.vector_load %arg5[%get3A_99, %get3A_100, %get3A_101] {strides = array<i32>} : memref<2x32x128xf32, #tpu.memory_space<vmem>>, vector<16xf32>,
      %swap3A_103 = arith.index_cast %add3A_87 : i32 to index
      %swap3A_104 = arith.constant 16 : index
      %swap3A_105 = tpu.vector_load %arg6[%swap3A_103, %swap3A_104] {strides = array<i32>} : memref<32x256xf32, #tpu.memory_space<vmem>>, vector<16xf32>,
      tpu.vector_store %arg6[%swap3A_103, %swap3A_104], %get3A_102 {strides = array<i32>} : memref<32x256xf32, #tpu.memory_space<vmem>>, vector<16xf32>,
      %swap3A_106 = arith.index_cast %add3A_87 : i32 to index
      %swap3A_107 = arith.constant 144 : index
      %swap3A_108 = tpu.vector_load %arg6[%swap3A_106, %swap3A_107] {strides = array<i32>} : memref<32x256xf32, #tpu.memory_space<vmem>>, vector<16xf32>,
      tpu.vector_store %arg6[%swap3A_106, %swap3A_107], %get3A_10 {strides = array<i32>} : memref<32x256xf32, #tpu.memory_space<vmem>>, vector<16xf32>,
      %get3A_109 = arith.constant 0 : i32
      %get3A_110 = arith.index_cast %get3A_109 : i32 to index
      %get3A_111 = arith.index_cast %add3A_87 : i32 to index
      %get3A_112 = arith.constant 32 : index
      %get3A_113 = tpu.vector_load %arg5[%get3A_110, %get3A_111, %get3A_112] {strides = array<i32>} : memref<2x32x128xf32, #tpu.memory_space<vmem>>, vector<16xf32>,
      %swap3A_114 = arith.index_cast %add3A_87 : i32 to index
      %swap3A_115 = arith.constant 32 : index
      %swap3A_116 = tpu.vector_load %arg6[%swap3A_114, %swap3A_115] {strides = array<i32>} : memref<32x256xf32, #tpu.memory_space<vmem>>, vector<16xf32>,
      tpu.vector_store %arg6[%swap3A_114, %swap3A_115], %get3A_113 {strides = array<i32>} : memref<32x256xf32, #tpu.memory_space<vmem>>, vector<16xf32>,
      %swap3A_117 = arith.index_cast %add3A_87 : i32 to index
      %swap3A_118 = arith.constant 160 : index
      %swap3A_119 = tpu.vector_load %arg6[%swap3A_117, %swap3A_118] {strides = array<i32>} : memref<32x256xf32, #tpu.memory_space<vmem>>, vector<16xf32>,
      tpu.vector_store %arg6[%swap3A_117, %swap3A_118], %get3A_15 {strides = array<i32>} : memref<32x256xf32, #tpu.memory_space<vmem>>, vector<16xf32>,
      %get3A_120 = arith.constant 0 : i32
      %get3A_121 = arith.index_cast %get3A_120 : i32 to index
      %get3A_122 = arith.index_cast %add3A_87 : i32 to index
      %get3A_123 = arith.constant 48 : index
      %get3A_124 = tpu.vector_load %arg5[%get3A_121, %get3A_122, %get3A_123] {strides = array<i32>} : memref<2x32x128xf32, #tpu.memory_space<vmem>>, vector<16xf32>,
      %swap3A_125 = arith.index_cast %add3A_87 : i32 to index
      %swap3A_126 = arith.constant 48 : index
      %swap3A_127 = tpu.vector_load %arg6[%swap3A_125, %swap3A_126] {strides = array<i32>} : memref<32x256xf32, #tpu.memory_space<vmem>>, vector<16xf32>,
      tpu.vector_store %arg6[%swap3A_125, %swap3A_126], %get3A_124 {strides = array<i32>} : memref<32x256xf32, #tpu.memory_space<vmem>>, vector<16xf32>,
      %swap3A_128 = arith.index_cast %add3A_87 : i32 to index
      %swap3A_129 = arith.constant 176 : index
      %swap3A_130 = tpu.vector_load %arg6[%swap3A_128, %swap3A_129] {strides = array<i32>} : memref<32x256xf32, #tpu.memory_space<vmem>>, vector<16xf32>,
      tpu.vector_store %arg6[%swap3A_128, %swap3A_129], %get3A_20 {strides = array<i32>} : memref<32x256xf32, #tpu.memory_space<vmem>>, vector<16xf32>,
      %get3A_131 = arith.constant 0 : i32
      %get3A_132 = arith.index_cast %get3A_131 : i32 to index
      %get3A_133 = arith.index_cast %add3A_87 : i32 to index
      %get3A_134 = arith.constant 64 : index
      %get3A_135 = tpu.vector_load %arg5[%get3A_132, %get3A_133, %get3A_134] {strides = array<i32>} : memref<2x32x128xf32, #tpu.memory_space<vmem>>, vector<16xf32>,
      %swap3A_136 = arith.index_cast %add3A_87 : i32 to index
      %swap3A_137 = arith.constant 64 : index
      %swap3A_138 = tpu.vector_load %arg6[%swap3A_136, %swap3A_137] {strides = array<i32>} : memref<32x256xf32, #tpu.memory_space<vmem>>, vector<16xf32>,
      tpu.vector_store %arg6[%swap3A_136, %swap3A_137], %get3A_135 {strides = array<i32>} : memref<32x256xf32, #tpu.memory_space<vmem>>, vector<16xf32>,
      %swap3A_139 = arith.index_cast %add3A_87 : i32 to index
      %swap3A_140 = arith.constant 192 : index
      %swap3A_141 = tpu.vector_load %arg6[%swap3A_139, %swap3A_140] {strides = array<i32>} : memref<32x256xf32, #tpu.memory_space<vmem>>, vector<16xf32>,
      tpu.vector_store %arg6[%swap3A_139, %swap3A_140], %get3A_25 {strides = array<i32>} : memref<32x256xf32, #tpu.memory_space<vmem>>, vector<16xf32>,
      %get3A_142 = arith.constant 0 : i32
      %get3A_143 = arith.index_cast %get3A_142 : i32 to index
      %get3A_144 = arith.index_cast %add3A_87 : i32 to index
      %get3A_145 = arith.constant 80 : index
      %get3A_146 = tpu.vector_load %arg5[%get3A_143, %get3A_144, %get3A_145] {strides = array<i32>} : memref<2x32x128xf32, #tpu.memory_space<vmem>>, vector<16xf32>,
      %swap3A_147 = arith.index_cast %add3A_87 : i32 to index
      %swap3A_148 = arith.constant 80 : index
      %swap3A_149 = tpu.vector_load %arg6[%swap3A_147, %swap3A_148] {strides = array<i32>} : memref<32x256xf32, #tpu.memory_space<vmem>>, vector<16xf32>,
      tpu.vector_store %arg6[%swap3A_147, %swap3A_148], %get3A_146 {strides = array<i32>} : memref<32x256xf32, #tpu.memory_space<vmem>>, vector<16xf32>,
      %swap3A_150 = arith.index_cast %add3A_87 : i32 to index
      %swap3A_151 = arith.constant 208 : index
      %swap3A_152 = tpu.vector_load %arg6[%swap3A_150, %swap3A_151] {strides = array<i32>} : memref<32x256xf32, #tpu.memory_space<vmem>>, vector<16xf32>,
      tpu.vector_store %arg6[%swap3A_150, %swap3A_151], %get3A_30 {strides = array<i32>} : memref<32x256xf32, #tpu.memory_space<vmem>>, vector<16xf32>,
      %get3A_153 = arith.constant 0 : i32
      %get3A_154 = arith.index_cast %get3A_153 : i32 to index
      %get3A_155 = arith.index_cast %add3A_87 : i32 to index
      %get3A_156 = arith.constant 96 : index
      %get3A_157 = tpu.vector_load %arg5[%get3A_154, %get3A_155, %get3A_156] {strides = array<i32>} : memref<2x32x128xf32, #tpu.memory_space<vmem>>, vector<16xf32>,
      %swap3A_158 = arith.index_cast %add3A_87 : i32 to index
      %swap3A_159 = arith.constant 96 : index
      %swap3A_160 = tpu.vector_load %arg6[%swap3A_158, %swap3A_159] {strides = array<i32>} : memref<32x256xf32, #tpu.memory_space<vmem>>, vector<16xf32>,
      tpu.vector_store %arg6[%swap3A_158, %swap3A_159], %get3A_157 {strides = array<i32>} : memref<32x256xf32, #tpu.memory_space<vmem>>, vector<16xf32>,
      %swap3A_161 = arith.index_cast %add3A_87 : i32 to index
      %swap3A_162 = arith.constant 224 : index
      %swap3A_163 = tpu.vector_load %arg6[%swap3A_161, %swap3A_162] {strides = array<i32>} : memref<32x256xf32, #tpu.memory_space<vmem>>, vector<16xf32>,
      tpu.vector_store %arg6[%swap3A_161, %swap3A_162], %get3A_35 {strides = array<i32>} : memref<32x256xf32, #tpu.memory_space<vmem>>, vector<16xf32>,
      %get3A_164 = arith.constant 0 : i32
      %get3A_165 = arith.index_cast %get3A_164 : i32 to index
      %get3A_166 = arith.index_cast %add3A_87 : i32 to index
      %get3A_167 = arith.constant 112 : index
      %get3A_168 = tpu.vector_load %arg5[%get3A_165, %get3A_166, %get3A_167] {strides = array<i32>} : memref<2x32x128xf32, #tpu.memory_space<vmem>>, vector<16xf32>,
      %swap3A_169 = arith.index_cast %add3A_87 : i32 to index
      %swap3A_170 = arith.constant 112 : index
      %swap3A_171 = tpu.vector_load %arg6[%swap3A_169, %swap3A_170] {strides = array<i32>} : memref<32x256xf32, #tpu.memory_space<vmem>>, vector<16xf32>,
      tpu.vector_store %arg6[%swap3A_169, %swap3A_170], %get3A_168 {strides = array<i32>} : memref<32x256xf32, #tpu.memory_space<vmem>>, vector<16xf32>,
      %swap3A_172 = arith.index_cast %add3A_87 : i32 to index
      %swap3A_173 = arith.constant 240 : index
      %swap3A_174 = tpu.vector_load %arg6[%swap3A_172, %swap3A_173] {strides = array<i32>} : memref<32x256xf32, #tpu.memory_space<vmem>>, vector<16xf32>,
      tpu.vector_store %arg6[%swap3A_172, %swap3A_173], %get3A_40 {strides = array<i32>} : memref<32x256xf32, #tpu.memory_space<vmem>>, vector<16xf32>,
    }
    %scan3A_44 = arith.constant 32 : i32
    "tpu.region"() ({
      %run_scoped3A_83 = tpu.sem_alloc : memref<!tpu.dma_semaphore, #tpu.memory_space<semaphore_mem>>
      %dma_start3A_84 = arith.constant 0 : i32
      %dma_start3A_85 = arith.constant 0 : i32
      %dma_start3A_86 = tpu.memref_slice %arg7[%arg1, %dma_start3A_84, %dma_start3A_85] : memref<16x32x256xf32, #tpu.memory_space<vmem_shared>> -> memref<1x32x256xf32, #tpu.memory_space<vmem_shared>>
      %dma_start3A_87 = tpu.memref_squeeze %dma_start3A_86 : memref<1x32x256xf32, #tpu.memory_space<vmem_shared>> -> memref<32x256xf32, #tpu.memory_space<vmem_shared>>
      %dma_start3A_88 = arith.constant 0 : i32
      %dma_start3A_89 = arith.constant 0 : i32
      %dma_start3A_90 = tpu.memref_slice %arg7[%arg1, %dma_start3A_88, %dma_start3A_89] : memref<16x32x256xf32, #tpu.memory_space<vmem_shared>> -> memref<1x32x256xf32, #tpu.memory_space<vmem_shared>>
      %dma_start3A_91 = tpu.memref_squeeze %dma_start3A_90 : memref<1x32x256xf32, #tpu.memory_space<vmem_shared>> -> memref<32x256xf32, #tpu.memory_space<vmem_shared>>
      tpu.enqueue_dma source(%arg6 : memref<32x256xf32, #tpu.memory_space<vmem>>) target(%dma_start3A_91 : memref<32x256xf32, #tpu.memory_space<vmem_shared>>) target_semaphore(%run_scoped3A_83 : memref<!tpu.dma_semaphore, #tpu.memory_space<semaphore_mem>>)
      %dma_wait3A_92 = arith.constant 0 : i32
      %dma_wait3A_93 = arith.constant 0 : i32
      %dma_wait3A_94 = tpu.memref_slice %arg7[%arg1, %dma_wait3A_92, %dma_wait3A_93] : memref<16x32x256xf32, #tpu.memory_space<vmem_shared>> -> memref<1x32x256xf32, #tpu.memory_space<vmem_shared>>
      %dma_wait3A_95 = tpu.memref_squeeze %dma_wait3A_94 : memref<1x32x256xf32, #tpu.memory_space<vmem_shared>> -> memref<32x256xf32, #tpu.memory_space<vmem_shared>>
      %dma_wait3A_96 = arith.constant 0 : i32
      %dma_wait3A_97 = arith.constant 0 : i32
      %dma_wait3A_98 = tpu.memref_slice %arg7[%arg1, %dma_wait3A_96, %dma_wait3A_97] : memref<16x32x256xf32, #tpu.memory_space<vmem_shared>> -> memref<1x32x256xf32, #tpu.memory_space<vmem_shared>>
      %dma_wait3A_99 = tpu.memref_squeeze %dma_wait3A_98 : memref<1x32x256xf32, #tpu.memory_space<vmem_shared>> -> memref<32x256xf32, #tpu.memory_space<vmem_shared>>
      tpu.wait_dma2 semaphore(%run_scoped3A_83 : memref<!tpu.dma_semaphore, #tpu.memory_space<semaphore_mem>>) src(%arg6 : memref<32x256xf32, #tpu.memory_space<vmem>>) dst(%dma_wait3A_99 : memref<32x256xf32, #tpu.memory_space<vmem_shared>>)
      tpu.yield
    }) : () -> ()
    %barrier3A = arith.constant 0 : index
    tpu.barrier barrier_id(%barrier3A)
    %mul3A_45 = arith.constant 2 : i32
    %mul3A_46 = arith.muli %arg1, %mul3A_45 : i32
    %add3A_47 = arith.constant 0 : i32
    %add3A_48 = arith.addi %mul3A_46, %add3A_47 : i32
    %mul3A_49 = arith.constant 16 : i32
    %mul3A_50 = arith.muli %arg0, %mul3A_49 : i32
    %dma_start3A = arith.constant 0 : i32
    %dma_start3A_51 = arith.constant 0 : i32
    %dma_start3A_52 = tpu.memref_slice %arg4[%add3A_48, %mul3A_50, %dma_start3A, %dma_start3A_51] : memref<32x32x32x256xf32, #tpu.memory_space<hbm>> -> memref<1x16x32x256xf32, #tpu.memory_space<hbm>>
    %dma_start3A_53 = tpu.memref_squeeze %dma_start3A_52 : memref<1x16x32x256xf32, #tpu.memory_space<hbm>> -> memref<16x32x256xf32, #tpu.memory_space<hbm>>
    tpu.enqueue_dma source(%arg7 : memref<16x32x256xf32, #tpu.memory_space<vmem_shared>>) target(%dma_start3A_53 : memref<16x32x256xf32, #tpu.memory_space<hbm>>) target_semaphore(%arg8 : memref<!tpu.dma_semaphore, #tpu.memory_space<semaphore_mem>>)
    %mul3A_54 = arith.constant 2 : i32
    %mul3A_55 = arith.muli %arg1, %mul3A_54 : i32
    %add3A_56 = arith.constant 1 : i32
    %add3A_57 = arith.addi %mul3A_55, %add3A_56 : i32
    %mul3A_58 = arith.constant 16 : i32
    %mul3A_59 = arith.muli %arg0, %mul3A_58 : i32
    %dma_start3A_60 = arith.constant 0 : i32
    %dma_start3A_61 = arith.constant 0 : i32
    %dma_start3A_62 = tpu.memref_slice %arg4[%add3A_57, %mul3A_59, %dma_start3A_60, %dma_start3A_61] : memref<32x32x32x256xf32, #tpu.memory_space<hbm>> -> memref<1x16x32x256xf32, #tpu.memory_space<hbm>>
    %dma_start3A_63 = tpu.memref_squeeze %dma_start3A_62 : memref<1x16x32x256xf32, #tpu.memory_space<hbm>> -> memref<16x32x256xf32, #tpu.memory_space<hbm>>
    tpu.enqueue_dma source(%arg7 : memref<16x32x256xf32, #tpu.memory_space<vmem_shared>>) target(%dma_start3A_63 : memref<16x32x256xf32, #tpu.memory_space<hbm>>) target_semaphore(%arg8 : memref<!tpu.dma_semaphore, #tpu.memory_space<semaphore_mem>>)
    %mul3A_64 = arith.constant 2 : i32
    %mul3A_65 = arith.muli %arg1, %mul3A_64 : i32
    %add3A_66 = arith.constant 0 : i32
    %add3A_67 = arith.addi %mul3A_65, %add3A_66 : i32
    %mul3A_68 = arith.constant 16 : i32
    %mul3A_69 = arith.muli %arg0, %mul3A_68 : i32
    %dma_wait3A = arith.constant 0 : i32
    %dma_wait3A_70 = arith.constant 0 : i32
    %dma_wait3A_71 = tpu.memref_slice %arg4[%add3A_67, %mul3A_69, %dma_wait3A, %dma_wait3A_70] : memref<32x32x32x256xf32, #tpu.memory_space<hbm>> -> memref<1x16x32x256xf32, #tpu.memory_space<hbm>>
    %dma_wait3A_72 = tpu.memref_squeeze %dma_wait3A_71 : memref<1x16x32x256xf32, #tpu.memory_space<hbm>> -> memref<16x32x256xf32, #tpu.memory_space<hbm>>
    tpu.wait_dma2 semaphore(%arg8 : memref<!tpu.dma_semaphore, #tpu.memory_space<semaphore_mem>>) src(%arg7 : memref<16x32x256xf32, #tpu.memory_space<vmem_shared>>) dst(%dma_wait3A_72 : memref<16x32x256xf32, #tpu.memory_space<hbm>>)
    %mul3A_73 = arith.constant 2 : i32
    %mul3A_74 = arith.muli %arg1, %mul3A_73 : i32
    %add3A_75 = arith.constant 1 : i32
    %add3A_76 = arith.addi %mul3A_74, %add3A_75 : i32
    %mul3A_77 = arith.constant 16 : i32
    %mul3A_78 = arith.muli %arg0, %mul3A_77 : i32
    %dma_wait3A_79 = arith.constant 0 : i32
    %dma_wait3A_80 = arith.constant 0 : i32
    %dma_wait3A_81 = tpu.memref_slice %arg4[%add3A_76, %mul3A_78, %dma_wait3A_79, %dma_wait3A_80] : memref<32x32x32x256xf32, #tpu.memory_space<hbm>> -> memref<1x16x32x256xf32, #tpu.memory_space<hbm>>
    %dma_wait3A_82 = tpu.memref_squeeze %dma_wait3A_81 : memref<1x16x32x256xf32, #tpu.memory_space<hbm>> -> memref<16x32x256xf32, #tpu.memory_space<hbm>>
    tpu.wait_dma2 semaphore(%arg8 : memref<!tpu.dma_semaphore, #tpu.memory_space<semaphore_mem>>) src(%arg7 : memref<16x32x256xf32, #tpu.memory_space<vmem_shared>>) dst(%dma_wait3A_82 : memref<16x32x256xf32, #tpu.memory_space<hbm>>)
    return
  }
}

</mosaic_0001>

<sc_bundles>
// kernel: kernel.3.cloned.1.call-start
scs
__scs_entry_jumppad:
0x0: {  	(pc) =	sbr.rel $0x88, $3  }
0x1: {  	(tag) =	ssettag $0x0;
	lr =	simm.s32 $0x1  }
0x2: {  	[smem:$0x3F9F] =	sst lr;
	_ =	strace $0xD0000000  }
0x3: {  	_ = 	snop  }
0x4: {  	_ = 	snop  }
0x5: {  	_ = 	snop  }
0x6: {  	_ = 	snop  }
0x7: {  	_ = 	snop  }
__scs_overlays_trampoline_lowered:
0x8: {  	[smem:$0x3FAE] =	sst s0  }
0x9: {  	[smem:$0x3FAF] =	sst s1  }
0xa: {  	[smem:$0x3FB0] =	sst s2  }
0xb: {  	[smem:$0x3FB1] =	sst s3  }
0xc: {  	[smem:$0x3FB2] =	sst s4  }
0xd: {  	[smem:$0x3FB3] =	sst s5  }
0xe: {  	[smem:$0x3FB4] =	sst s6  }
0xf: {  	[smem:$0x3FB5] =	sst s7  }
0x10: {  	[smem:$0x3FB6] =	sst s8  }
0x11: {  	[smem:$0x3FB7] =	sst s9;
	s0 =	simm.s32 @!p0 $0x0  }
0x12: {  	s1 =	sld [smem:$0x3F9D];
	s0 =	simm.s32 @p0 $0x1  }
0x13: {  	[smem:$0x3FB8] =	sst s0;
	s0 =	simm.s32 @!p1 $0x0  }
0x14: {  	s2 =	sld [smem:$0x3F9C];
	s0 =	simm.s32 @p1 $0x1  }
0x15: {  	[smem:$0x3FB9] =	sst s0;
	s0 =	simm.s32 @!p2 $0x0  }
0x16: {  	s3 =	sld [smem:$0x3FDB];
	s0 =	simm.s32 @p2 $0x1  }
0x17: {  	s4 =	simm.s32 $0x1BF5;
	[smem:$0x3FBB] =	sst s0  }
0x18: {  	s0 =	sld [smem:$0x3F9E];
	_ =	swait.ge [sflag:s4], $0x0  }
0x19: {  	s7 =	sld [smem:$0x3F9F]  }
0x1a: {  	s8 =	sadd.s32 $0xFFFFE003, lr  }
0x1b: {  	s9 =	sadd.s32 $0xFFFFFEF7, lr;
	s5 =	simm.s32 $0xFFFFFFFF;
	p2 =	slt.u32 s8, $0xFFFFF086  }
0x1c: {  	p1 =	slt.u32 s9, $0xF7A;
	s5 =	simm.s32 @!p2 $0x0  }
0x1d: {  	s5 =	simm.s32 @p1 $0x1;
	p0 =	seq.s32 s7, s2  }
0x1e: {  	s7 =	smul.u32 @!p0 $0xF7A, s2;
	p2 =	seq.s32 @!p0 s5, $0x0  }
0x1f: {  	s9 =	smul.u32 $0xF7A, s1;
	s8 =	simm.s32 @!p0 $0x1BF5;
	p2 =	por !p2, p0  }
0x20: {  	[sflag:s8] =	ssyncset.s32 @!p0 $0xFFFFF086;
	s6 =	sadd.s32 @!p0 s3, s7;
	s7 =	simm.s32 @!p0 $0x108  }
0x21: {  	s3 =	sadd.s32 s3, s9;
	s6 =	sadd.s32 @!p0 $0x88, s6;
	s7 =	simm.s32 @p2 $0x1082  }
0x22: {  	[simem:s7], [sflag:s8] =	dma.local @!p0 [hbm:s6], $0xF7A  }
0x23: {  	s9 =	sor.u32 $0xD0000000, s2;
	s6 =	simm.s32 $0x108;
	_ =	swait.ge @!p0 [sflag:s8], $0x0  }
0x24: {  	s3 =	sadd.s32 $0x88, s3;
	s6 =	simm.s32 @!p1 $0x1082;
	[sflag:s4] =	ssyncset.s32 $0xFFFFF086  }
0x25: {  	[simem:s6], [sflag:s4] =	dma.local [hbm:s3], $0xF7A  }
0x26: {  	[smem:$0x3F9F] =	sst s1;
	(tag) =	ssettag s2;
	_ =	strace s9  }
0x27: {  	s1 =	sld [smem:$0x3FAF]  }
0x28: {  	s2 =	sld [smem:$0x3FB0]  }
0x29: {  	s4 =	sld [smem:$0x3FB2]  }
0x2a: {  	p0 =	seq.s32 s5, $0x0;
	s5 =	sld [smem:$0x3FB3]  }
0x2b: {  	s6 =	sld [smem:$0x3FB4]  }
0x2c: {  	s7 =	sld [smem:$0x3FB5]  }
0x2d: {  	s3 =	simm.s32 $0x108;
	s8 =	sld [smem:$0x3FB6]  }
0x2e: {  	s3 =	simm.s32 @!p0 $0x1082;
	s9 =	sld [smem:$0x3FB7]  }
0x2f: {  	lr =	sadd.s32 s0, s3;
	s0 =	sld [smem:$0x3FAE]  }
0x30: {  	s3 =	sld [smem:$0x3FB1]  }
0x31: {  	[smem:$0x3FBA] =	sst s10  }
0x32: {  	s10 =	sld [smem:$0x3FB8];
	_ =	sdelay $0x3  }
0x33: {  	p0 =	seq.s32 s10, $0x1;
	s10 =	sld [smem:$0x3FBA];
	_ =	sdelay $0x3  }
0x34: {  	[smem:$0x3FBA] =	sst s10  }
0x35: {  	s10 =	sld [smem:$0x3FB9];
	_ =	sdelay $0x3  }
0x36: {  	p1 =	seq.s32 s10, $0x1;
	s10 =	sld [smem:$0x3FBA];
	_ =	sdelay $0x3  }
0x37: {  	[smem:$0x3FBA] =	sst s10  }
0x38: {  	s10 =	sld [smem:$0x3FBB]  }
0x39: {  	_ = 	snop;
	(pc) =	sbr.ind lr, $3  }
0x3a: {  	_ = 	snop  }
0x3b: {  	_ = 	snop  }
0x3c: {  	p2 =	seq.s32 s10, $0x1;
	s10 =	sld [smem:$0x3FBA]  }
0x3d: {  	_ =	shalt  }
0x3e: {  	_ =	shalt  }
0x3f: {  	_ =	shalt  }
0x40: {  	_ =	shalt  }
0x41: {  	_ =	shalt  }
0x42: {  	_ =	shalt  }
0x43: {  	_ =	shalt  }
0x44: {  	_ =	shalt  }
0x45: {  	_ =	shalt  }
0x46: {  	_ =	shalt  }
0x47: {  	_ =	shalt  }
0x48: {  	_ =	shalt  }
0x49: {  	_ =	shalt  }
0x4a: {  	_ =	shalt  }
0x4b: {  	_ =	shalt  }
0x4c: {  	_ =	shalt  }
0x4d: {  	_ =	shalt  }
0x4e: {  	_ =	shalt  }
0x4f: {  	_ =	shalt  }
0x50: {  	_ =	shalt  }
0x51: {  	_ =	shalt  }
0x52: {  	_ =	shalt  }
0x53: {  	_ =	shalt  }
0x54: {  	_ =	shalt  }
0x55: {  	_ =	shalt  }
0x56: {  	_ =	shalt  }
0x57: {  	_ =	shalt  }
0x58: {  	_ =	shalt  }
0x59: {  	_ =	shalt  }
0x5a: {  	_ =	shalt  }
0x5b: {  	_ =	shalt  }
0x5c: {  	_ =	shalt  }
0x5d: {  	_ =	shalt  }
0x5e: {  	_ =	shalt  }
0x5f: {  	_ =	shalt  }
0x60: {  	_ =	shalt  }
0x61: {  	_ =	shalt  }
0x62: {  	_ =	shalt  }
0x63: {  	_ =	shalt  }
0x64: {  	_ =	shalt  }
0x65: {  	_ =	shalt  }
0x66: {  	_ =	shalt  }
0x67: {  	_ =	shalt  }
0x68: {  	_ =	shalt  }
0x69: {  	_ =	shalt  }
0x6a: {  	_ =	shalt  }
0x6b: {  	_ =	shalt  }
0x6c: {  	_ =	shalt  }
0x6d: {  	_ =	shalt  }
0x6e: {  	_ =	shalt  }
0x6f: {  	_ =	shalt  }
0x70: {  	_ =	shalt  }
0x71: {  	_ =	shalt  }
0x72: {  	_ =	shalt  }
0x73: {  	_ =	shalt  }
0x74: {  	_ =	shalt  }
0x75: {  	_ =	shalt  }
0x76: {  	_ =	shalt  }
0x77: {  	_ =	shalt  }
0x78: {  	_ =	shalt  }
0x79: {  	_ =	shalt  }
0x7a: {  	_ =	shalt  }
0x7b: {  	_ =	shalt  }
0x7c: {  	_ =	shalt  }
0x7d: {  	_ =	shalt  }
0x7e: {  	_ =	shalt  }
0x7f: {  	_ =	shalt  }
0x80: {  	_ =	shalt  }
0x81: {  	_ =	shalt  }
0x82: {  	_ =	shalt  }
0x83: {  	_ =	shalt  }
0x84: {  	_ =	shalt  }
0x85: {  	_ =	shalt  }
0x86: {  	_ =	shalt  }
0x87: {  	_ =	shalt  }
.Lfunc_end0:
.L_simem_size_0:
called_computation_lowered:
.L_overlay_start_0:
0x88: {  	s2 =	sld [smem:$0x3FD9]  }
0x89: {  	s3 =	sld [smem:$0x3FFE];
	_ =	sdelay $0x1  }
0x8a: {  	s1 =	srdreg.scid  }
0x8b: {  	s0 =	sand.u32 $0x1, s1  }
0x8c: {  	s18 =	sshll.u32 s0, $0xA;
	s2 =	sadd.s32 s3, s2  }
0x8d: {  	s2 =	sadd.s32 s2, s18  }
0x8e: {  	[smem:$0x3FC6] =	sst s2  }
0x8f: {  	_ = 	snop  }
0x90: {  	s2 =	sld [smem:$0x3FC9]  }
0x91: {  	s19 =	sld [smem:$0x3FC8]  }
0x92: {  	s4 =	sld [smem:$0x3FD0];
	(tm) =	ssettm $0x1  }
0x93: {  	s5 =	sld [smem:$0x3FFB];
	_ =	sdelay $0x3  }
0x94: {  	_ =	strace s5  }
0x95: {  	s5 =	sld [smem:$0x3FFC];
	_ =	sdelay $0x3  }
0x96: {  	_ =	strace s5  }
0x97: {  	s5 =	sld [smem:$0x3FFD];
	_ =	sdelay $0x3  }
0x98: {  	_ =	strace s5  }
0x99: {  	_ =	strace $0x8FFFFFFF  }
0x9a: {  	s20 =	sld [smem:$0x3FDB];
	_ =	sdelay $0x1  }
0x9b: {  	s6 =	simm.s32 $_scs_section_size  }
0x9c: {  	s7 =	simm.s32 $_size__tile_overlayer_lowered;
	s8 =	simm.s32 $_tile_overlayer_lowered  }
0x9d: {  	s23 =	simm.s32 $0x1BFF;
	s22 =	sshll.u32 s8, $0x1;
	s5 =	sadd.s32 s6, s20  }
0x9e: {  	s9 =	simm.s32 $0x0;
	s21 =	sshll.u32 s7, $0x1;
	s7 =	sadd.s32 s22, s5  }
0x9f: {  	[timem:s9], [sflag:s23] =	dma.local [hbm:s7], s21  }
0xa0: {  	_ =	swait.ge [sflag:s23], s21  }
0xa1: {  	s6 =	ssub.s32 $0x0, s21;
	[sflag:s23] =	ssyncset.done $0x0  }
0xa2: {  	[sflag:s23] =	ssyncadd.s32 s6;
	_ =	sdelay $0x1  }
0xa3: {  	s24 =	simm.s32 $0x1B8B  }
0xa4: {  	_ =	swait.ge [sflag:s24], $0x1  }
0xa5: {  	[sflag:s24] =	ssyncset.done $0x0  }
0xa6: {  	s25 =	simm.s32 $0x1B8E;
	[sflag:s24] =	ssyncadd.s32 $0xFFFFFFFF  }
0xa7: {  	s26 =	simm.s32 $execute0_lowered;
	[smem:$0x3FD2] =	sst s25  }
0xa8: {  	s6 =	sshll.u32 s26, $0x1;
	_ =	strace $0x80000046;
	[dreg:$0x1] =	wrdreg $0xFFFFFFFF  }
0xa9: {  	s28 =	simm.s32 $_size_execute0_lowered;
	s5 =	sadd.s32 s5, s6;
	[dreg:$0x0] =	wrdreg $0x0  }
0xaa: {  	s6 =	sshll.u32 s28, $0x1;
	[dreg:$0x2] =	wrdreg s5  }
0xab: {  	[dreg:$0x3] =	wrdreg s6  }
0xac: {  	[dreg:$0x4] =	wrdreg $0xC0  }
0xad: {  	_ =	task [dreg:s9], $0x5FFFF  }
0xae: {  	[dreg:$0x1] =	wrdreg $0xFFFFFFFF  }
0xaf: {  	[dreg:$0x0] =	wrdreg $0x60  }
0xb0: {  	[dreg:$0x2] =	wrdreg s2  }
0xb1: {  	[dreg:$0x3] =	wrdreg s19  }
0xb2: {  	[dreg:$0x4] =	wrdreg s4  }
0xb3: {  	[dreg:$0x5] =	wrdreg $0x40000  }
0xb4: {  	[dreg:$0x6] =	wrdreg $0x9  }
0xb5: {  	_ =	task.clear_ibuf [dreg:s9], $0x7FFFF;
	_ =	strace $0x90000046  }
0xb6: {  	s29 =	simm.s32 $0x9;
	_ =	strace $0x80000048  }
0xb7: {  	_ =	swait.ge [sflag:s29], $0x1  }
0xb8: {  	[sflag:s29] =	ssyncadd.s32 $0xFFFFFFFF  }
0xb9: {  	_ =	strace $0x90000048  }
0xba: {  	_ =	sfence  }
0xbb: {  	s30 =	sld [smem:$0x0];
	_ =	sdelay $0x2  }
0xbc: {  	s31 =	sshll.u32 s1, $0xD;
	s1 =	sshrl.u32 s1, $0x2  }
0xbd: {  	s3 =	sand.u32 $0x4000, s31;
	s1 =	sadd.s32 s1, s30  }
0xbe: {  	s0 =	sor.u32 s3, s0;
	s1 =	sshll.u32 s1, $0x11  }
0xbf: {  	s0 =	sor.u32 s1, s0  }
0xc0: {  	s0 =	sadd.s32 $0x8F2B, s0  }
0xc1: {  	[sflag:s0] =	ssyncadd.remote.s32 $0x1  }
0xc2: {  	_ =	sfence.sel $0xFFFF  }
0xc3: {  	[dreg:$0x0] =	wrdreg $0xFFFFFFFF;
	(pc) =	sbr.abs _section_cstart, $3  }
0xc4: {  	[dreg:$0x1] =	wrdreg $0xFFFFFFFF  }
0xc5: {  	_ =	task.clear_ibuf [dreg:s9], $0x2FFFF;
	_ =	strace $0x9FFFFFFF  }
0xc6: {  	(tm) =	ssettm $0x7FFFFFFF  }
0xc7: {  	_ =	shalt  }
tec
execute0_lowered:
.L_overlay_start_1:
0x0: {  	(tag) =	ssettag $0x1  }
0x1: {  	s1 =	rddreg [dreg:$0x0]  }
0x2: {  	s2 =	rddreg [dreg:$0x1]  }
0x3: {  	s5 =	rddreg [dreg:$0x2]  }
0x4: {  	s14 =	rddreg [dreg:$0x3]  }
0x5: {  	s0 =	rddreg [dreg:$0x4];
	s3 =	simm.s32 $0x0  }
0x6: {  	s4 =	srdreg.scid;
	s12 =	simm.s32 $0x2000;
	s15 =	simm.s32 $0x1  }
0x7: {  	s16 =	simm.s32 $0x0;
	[smem:$0x7FF] =	sst s3;
	s6 =	sand.u32 $0x1, s4  }
0x8: {  	s4 =	stileid.u32;
	_ =	strace $0x80000047;
	s7 =	ssub.s32 $0x2, s6  }
0x9: {  	s9 =	sshll.u32 s4, $0x10;
	s10 =	sshll.u32 s6, $0xE;
	s6 =	sshll.u32 s6, $0xB  }
0xa: {  	s30 =	sshll.u32 s4, $0x7;
	s31 =	sshll.u32 s4, $0xD;
	s13 =	sshll.u32 s4, $0x6  }
0xb: {  	s8 =	sshrl.u32 s7, $0x1;
	s29 =	sor.u32 s10, s9;
	s6 =	sor.u32 s30, s6  }
0xc: {  	s10 =	simm.s32 $0x2;
	s13 =	sor.u32 $0x1C01, s13;
	s11 =	ssub.s32 s7, s8  }
0xd: {  	s5 =	sadd.s32 s5, s29;
	s7 =	sadd.s32 s31, s14;
	s14 =	sshrl.u32 s14, $0x3  }
0xe: {  	s8 =	sadd.s32 $0x8000, s5;
	s9 =	smax.u32 s11, $0x1;
	s11 =	simm.s32 $0x1000  }
.LBB2_1:
0xf: {  	[tilespmem:s3], [sflag:$0x2] =	stream.linear.gather [hbm4b:s2+s3], $0x1000, $0x38;
	[tilespmem:$0x6000] =	vst v63  }
0x10: {  	_ =	swait.ge [sflag:s10], $0x1000  }
0x11: {  	[sflag:s10] =	ssyncset.done $0x0  }
0x12: {  	[sflag:s10] =	ssyncadd.s32 $0xFFFFF000  }
0x13: {  	[tilespmem:s11], [sflag:$0x2] =	stream.linear.gather [hbm4b:s1+s3], $0x1000, $0x38;
	[tilespmem:$0x6000] =	vst v63  }
0x14: {  	_ =	swait.ge [sflag:s10], $0x1000  }
0x15: {  	[sflag:s10] =	ssyncset.done $0x0  }
0x16: {  	[sflag:s10] =	ssyncadd.s32 $0xFFFFF000  }
0x17: {  	v7 =	vld [tilespmem:s6+$0x1000]  }
0x18: {  	v6 =	vld [tilespmem:s6+$0x1010]  }
0x19: {  	v5 =	vld [tilespmem:s6+$0x1020]  }
0x1a: {  	v4 =	vld [tilespmem:s6+$0x1030]  }
0x1b: {  	v3 =	vld [tilespmem:s6+$0x1040]  }
0x1c: {  	v2 =	vld [tilespmem:s6+$0x1050]  }
0x1d: {  	s18 =	sand.u32 $0x1800, s3;
	s19 =	sand.u32 $0x380, s3;
	v1 =	vld [tilespmem:s6+$0x1060]  }
0x1e: {  	s17 =	simm.s32 $0x40;
	s18 =	sor.u32 s19, s18;
	v0 =	vld [tilespmem:s6+$0x1070]  }
0x1f: {  	s20 =	simm.s32 $0x0;
	s19 =	simm.s32 $0x80;
	v8 =	vld [tilespmem:s17+$0xFFFFFFC0];
	[tilespmem:s18+$0x2400] =	vst v7  }
.LBB2_2:
0x20: {  	p0 =	sne.s32 s19, $0xF80;
	_ =	sdelay $0x3  }
0x21: {  	[tilespmem:s18+$0x2000] =	vst v8  }
0x22: {  	v8 =	vld [tilespmem:s17+$0xFFFFFFD0];
	_ =	sdelay $0x3  }
0x23: {  	[tilespmem:s18+$0x2410] =	vst v6  }
0x24: {  	[tilespmem:s18+$0x2010] =	vst v8  }
0x25: {  	v8 =	vld [tilespmem:s17+$0xFFFFFFE0];
	_ =	sdelay $0x3  }
0x26: {  	[tilespmem:s18+$0x2420] =	vst v5  }
0x27: {  	[tilespmem:s18+$0x2020] =	vst v8  }
0x28: {  	v8 =	vld [tilespmem:s17+$0xFFFFFFF0];
	_ =	sdelay $0x3  }
0x29: {  	[tilespmem:s18+$0x2430] =	vst v4  }
0x2a: {  	[tilespmem:s18+$0x2030] =	vst v8  }
0x2b: {  	v8 =	vld [tilespmem:s17+$0x0];
	_ =	sdelay $0x3  }
0x2c: {  	[tilespmem:s18+$0x2440] =	vst v3  }
0x2d: {  	[tilespmem:s18+$0x2040] =	vst v8  }
0x2e: {  	v8 =	vld [tilespmem:s17+$0x10];
	_ =	sdelay $0x3  }
0x2f: {  	[tilespmem:s18+$0x2450] =	vst v2  }
0x30: {  	[tilespmem:s18+$0x2050] =	vst v8  }
0x31: {  	v8 =	vld [tilespmem:s17+$0x20];
	_ =	sdelay $0x3  }
0x32: {  	[tilespmem:s18+$0x2460] =	vst v1  }
0x33: {  	[tilespmem:s18+$0x2060] =	vst v8  }
0x34: {  	v8 =	vld [tilespmem:s17+$0x30];
	[tilespmem:s18+$0x2470] =	vst v0;
	_ =	sdelay $0x1  }
.Ltmp0:
0x35: {  	(pc) =	sbr.rel @p0 .LBB2_2-.Ltmp0, $4  }
0x36: {  	s20 =	sadd.s32 $0x100, s20  }
0x37: {  	s22 =	sand.u32 $0x380, s19;
	s21 =	sand.u32 $0x1800, s20  }
0x38: {  	s17 =	sadd.s32 $0x80, s17;
	[tilespmem:s18+$0x2070] =	vst v8;
	s18 =	sor.u32 s22, s21  }
0x39: {  	s19 =	sadd.s32 $0x80, s19;
	v8 =	vld [tilespmem:s17+$0xFFFFFFC0];
	[tilespmem:s18+$0x2400] =	vst v7  }
0x3a: {  	_ =	sdelay $0x3  }
0x3b: {  	[tilespmem:s18+$0x2000] =	vst v8  }
0x3c: {  	v7 =	vld [tilespmem:s17+$0xFFFFFFD0];
	_ =	sdelay $0x3  }
0x3d: {  	[tilespmem:s18+$0x2410] =	vst v6  }
0x3e: {  	[tilespmem:s18+$0x2010] =	vst v7  }
0x3f: {  	v6 =	vld [tilespmem:s17+$0xFFFFFFE0];
	_ =	sdelay $0x3  }
0x40: {  	[tilespmem:s18+$0x2420] =	vst v5  }
0x41: {  	[tilespmem:s18+$0x2020] =	vst v6  }
0x42: {  	v5 =	vld [tilespmem:s17+$0xFFFFFFF0];
	_ =	sdelay $0x3  }
0x43: {  	[tilespmem:s18+$0x2430] =	vst v4  }
0x44: {  	[tilespmem:s18+$0x2030] =	vst v5  }
0x45: {  	v4 =	vld [tilespmem:s17+$0x0];
	_ =	sdelay $0x3  }
0x46: {  	[tilespmem:s18+$0x2440] =	vst v3  }
0x47: {  	[tilespmem:s18+$0x2040] =	vst v4  }
0x48: {  	v3 =	vld [tilespmem:s17+$0x10];
	_ =	sdelay $0x3  }
0x49: {  	[tilespmem:s18+$0x2450] =	vst v2  }
0x4a: {  	[tilespmem:s18+$0x2050] =	vst v3  }
0x4b: {  	v2 =	vld [tilespmem:s17+$0x20];
	_ =	sdelay $0x3  }
0x4c: {  	[tilespmem:s18+$0x2460] =	vst v1  }
0x4d: {  	[tilespmem:s18+$0x2060] =	vst v2  }
0x4e: {  	v1 =	vld [tilespmem:s17+$0x30];
	_ =	sdelay $0x3  }
0x4f: {  	[tilespmem:s18+$0x2470] =	vst v0  }
0x50: {  	[tilespmem:s18+$0x2070] =	vst v1  }
0x51: {  	[spmem:s7] =	stream.linear.scatter [tilespmem:s12], [sflag:$0x2], $0x2000, $0x38;
	[tilespmem:$0x6000] =	vst v63  }
0x52: {  	_ =	swait.ge [sflag:s10], $0x2000  }
0x53: {  	[sflag:s10] =	ssyncset.done $0x0  }
0x54: {  	[sflag:s10] =	ssyncadd.s32 $0xFFFFE000  }
0x55: {  	s16 =	sadd.s32 $0x1, s16;
	[bflag:$0x0] =	sbarrier.arrive $0xFFFF  }
0x56: {  	[hbm:s5], [sflag:s13] =	dma.local [spmem:s14], $0x4000  }
0x57: {  	[hbm:s8], [sflag:s13] =	dma.local [spmem:s14], $0x4000  }
0x58: {  	p0 =	sne.s32 s16, s9;
	_ =	swait.ge [sflag:s15], $0x4000  }
.Ltmp1:
0x59: {  	[sflag:s15] =	ssyncset.done $0x0;
	(pc) =	sbr.rel @p0 .LBB2_1-.Ltmp1, $4  }
0x5a: {  	[sflag:s15] =	ssyncadd.s32 $0xFFFFC000  }
0x5b: {  	_ =	swait.ge [sflag:s15], $0x4000  }
0x5c: {  	[sflag:s15] =	ssyncset.done $0x0  }
0x5d: {  	[sflag:s15] =	ssyncadd.s32 $0xFFFFC000  }
0x5e: {  	_ =	sfence.sel $0x180000  }
0x5f: {  	[bflag:$0x0] =	sbarrier.arrive $0xFFFF  }
0x60: {  	p0 =	sne.s32 s4, $0x0;
	_ =	strace $0x90000047  }
0x61: {  	s0 =	sadd.s32 @!p0 $0x100000, s0;
	[bflag:$0x2] =	sbarrier.arrive $0xFFFF  }
0x62: {  	[sflag:s0] =	ssyncadd.tile.s32 @!p0 $0x1;
	_ =	shalt  }
.Lfunc_end2:
_tile_overlayer_lowered:
.L_overlay_start_2:
0x63: {  	(tag) =	ssettag $0x2  }
0x64: {  	s0 =	rddreg [dreg:$0x0];
	s2 =	stileid.u32  }
0x65: {  	s1 =	rddreg [dreg:$0x1];
	p0 =	sne.s32 s2, $0x0  }
0x66: {  	s3 =	rddreg [dreg:$0x2];
	[bflag:$0x3] =	sbarrier.arrive $0xFFFF;
	s2 =	simm.s32 @!p0 $0x1C02  }
0x67: {  	[timem:s3], [sflag:s2] =	dma.local @!p0 [hbm:s0], s1  }
0x68: {  	s0 =	simm.s32 @!p0 $0x2  }
0x69: {  	_ =	swait.ge @!p0 [sflag:s0], s1  }
0x6a: {  	s1 =	ssub.s32 @!p0 $0x0, s1;
	[sflag:s0] =	ssyncset.done @!p0 $0x0  }
0x6b: {  	[sflag:s0] =	ssyncadd.s32 @!p0 s1  }
0x6c: {  	[bflag:$0x3] =	sbarrier.arrive $0xFFFF  }
0x6d: {  	_ =	shalt  }

</sc_bundles>
